<compile_context>
chip_gen: v7x
topology: tpu7x:2x2x1
jax: 0.10.2.dev20260603
libtpu: 0.0.44.dev20260713+nightly
codegen_flags: <defaults>
</compile_context>

<pallas_src>
import functools

import jax
import jax.numpy as jnp
from jax import lax
from jax.experimental import pallas as pl
from jax.experimental.pallas import tpu as pltpu
from jax.experimental.pallas import tpu_sc as plsc

B, C_IN, T = 8, 1024, 2048
K, D = 8192, 32
BT = 512
BK = 1024
NTB = T // BT
NKB = K // BK


def _head_body(zin_ref, cb_ref, idx_ref,
               cbnh_scr, cbsq_scr, ench_scr, encsq_scr,
               best_scr, bidx_scr):
    b = pl.program_id(0)
    t = pl.program_id(1)
    k = pl.program_id(2)

    @pl.when((b == 0) & (t == 0) & (k == 0))
    def _init_consts():
        cb = cb_ref[...]
        cn = jnp.sqrt(jnp.sum(cb * cb, axis=1, keepdims=True))
        cbn = cb / jnp.maximum(cn, 1e-12)
        cbnh_scr[...] = cbn.astype(jnp.bfloat16)
        cbsq_scr[...] = jnp.sum(cbn * cbn, axis=1, keepdims=True)

    @pl.when(k == 0)
    def _normalize():
        zi = zin_ref[0]
        s = jnp.sum(zi * zi, axis=0, keepdims=True)
        encn = zi / jnp.maximum(jnp.sqrt(s), 1e-12)
        ench_scr[...] = encn.astype(jnp.bfloat16)
        encsq_scr[...] = jnp.sum(encn * encn, axis=0, keepdims=True)
        best_scr[...] = jnp.full((1, BT), -jnp.inf, jnp.float32)
        bidx_scr[...] = jnp.zeros((1, BT), jnp.int32)

    cbh_k = cbnh_scr[pl.ds(k * BK, BK), :]
    cbsq_k = cbsq_scr[pl.ds(k * BK, BK), :]
    prod = jnp.dot(cbh_k, ench_scr[...],
                   preferred_element_type=jnp.float32)
    neg = (2.0 * prod - encsq_scr[...]) - cbsq_k
    bmax = jnp.max(neg, axis=0, keepdims=True)
    rows = lax.broadcasted_iota(jnp.int32, (BK, BT), 0)
    lidx = jnp.min(jnp.where(neg == bmax, rows, K),
                   axis=0, keepdims=True)
    gidx = lidx + k * BK
    better = bmax > best_scr[...]
    best_scr[...] = jnp.where(better, bmax, best_scr[...])
    bidx_scr[...] = jnp.where(better, gidx, bidx_scr[...])

    @pl.when(k == NKB - 1)
    def _emit_idx():
        idx_ref[0, 0, 0] = bidx_scr[0]


def _head_call(zi, cb):
    return pl.pallas_call(
        _head_body,
        grid=(B, NTB, NKB),
        in_specs=[
            pl.BlockSpec((1, D, BT), lambda b, t, k: (b, 0, t)),
            pl.BlockSpec((K, D), lambda b, t, k: (0, 0)),
        ],
        out_specs=pl.BlockSpec((1, 1, 1, BT), lambda b, t, k: (b, t, 0, 0)),
        out_shape=jax.ShapeDtypeStruct((B, NTB, 1, BT), jnp.int32),
        scratch_shapes=[
            pltpu.VMEM((K, D), jnp.bfloat16),
            pltpu.VMEM((K, 1), jnp.float32),
            pltpu.VMEM((D, BT), jnp.bfloat16),
            pltpu.VMEM((1, BT), jnp.float32),
            pltpu.VMEM((1, BT), jnp.float32),
            pltpu.VMEM((1, BT), jnp.int32),
        ],
        compiler_params=pltpu.CompilerParams(
            dimension_semantics=("arbitrary", "arbitrary", "arbitrary"),
        ),
    )(zi, cb)


def _sc_gather(table, idx_flat):
    info = plsc.get_sparse_core_info()
    nw = info.num_cores * info.num_subcores
    b_per_w = (B * T) // nw
    mesh = plsc.VectorSubcoreMesh(core_axis_name="c", subcore_axis_name="s")

    @functools.partial(
        pl.kernel,
        out_type=jax.ShapeDtypeStruct((B * T, D), jnp.float32),
        mesh=mesh,
        compiler_params=pltpu.CompilerParams(use_tc_tiling_on_sc=False),
        scratch_types=[
            pltpu.VMEM((b_per_w,), jnp.int32),
            pltpu.VMEM((b_per_w, D), jnp.float32),
            pltpu.SemaphoreType.DMA,
        ],
    )
    def gather_kernel(table_hbm, idx_hbm, out_hbm, idx_v, rows_v, sem):
        wid = lax.axis_index("s") * info.num_cores + lax.axis_index("c")
        base = wid * b_per_w
        pltpu.sync_copy(idx_hbm.at[pl.ds(base, b_per_w)], idx_v)
        pltpu.async_copy(table_hbm.at[idx_v], rows_v, sem).wait()
        pltpu.sync_copy(rows_v, out_hbm.at[pl.ds(base, b_per_w)])

    return gather_kernel(table, idx_flat)


def _tail_body(zqr_ref, zi_ref, eye_ref, vout_ref, gout_ref, bout_ref,
               zq_ref, zo_ref, wout_scr):
    b = pl.program_id(0)
    t = pl.program_id(1)

    @pl.when((b == 0) & (t == 0))
    def _init_wout():
        v = vout_ref[...]
        n = jnp.sqrt(jnp.sum(v * v, axis=1, keepdims=True))
        wout_scr[...] = (gout_ref[...] * v) / n

    zq_rows = zqr_ref[...]
    zqt = lax.dot_general(eye_ref[...], zq_rows,
                          (((0,), (1,)), ((), ())),
                          precision=lax.Precision.HIGHEST,
                          preferred_element_type=jnp.float32)
    zi = zi_ref[0]
    zq_st = zi + (zqt - zi)
    zq_ref[0] = zq_st
    zo = jnp.dot(wout_scr[...].astype(jnp.bfloat16),
                 zq_st.astype(jnp.bfloat16),
                 preferred_element_type=jnp.float32) + bout_ref[...]
    zo_ref[0] = zo


def _tail_call(zq_rows, zi, eye, vout, gout2, bout2):
    return pl.pallas_call(
        _tail_body,
        grid=(B, NTB),
        in_specs=[
            pl.BlockSpec((BT, D), lambda b, t: (b * NTB + t, 0)),
            pl.BlockSpec((1, D, BT), lambda b, t: (b, 0, t)),
            pl.BlockSpec((D, D), lambda b, t: (0, 0)),
            pl.BlockSpec((C_IN, D), lambda b, t: (0, 0)),
            pl.BlockSpec((C_IN, 1), lambda b, t: (0, 0)),
            pl.BlockSpec((C_IN, 1), lambda b, t: (0, 0)),
        ],
        out_specs=[
            pl.BlockSpec((1, D, BT), lambda b, t: (b, 0, t)),
            pl.BlockSpec((1, C_IN, BT), lambda b, t: (b, 0, t)),
        ],
        out_shape=[
            jax.ShapeDtypeStruct((B, D, T), jnp.float32),
            jax.ShapeDtypeStruct((B, C_IN, T), jnp.float32),
        ],
        scratch_shapes=[
            pltpu.VMEM((C_IN, D), jnp.float32),
        ],
        compiler_params=pltpu.CompilerParams(
            dimension_semantics=("arbitrary", "arbitrary"),
        ),
    )(zq_rows, zi, eye, vout, gout2, bout2)


def kernel(z, in_proj_v, in_proj_g, in_proj_b, codebook,
           out_proj_v, out_proj_g, out_proj_b):
    gout2 = out_proj_g.reshape(C_IN, 1)
    bout2 = out_proj_b.reshape(C_IN, 1)
    eye = jnp.eye(D, dtype=jnp.float32)

    norm = jnp.linalg.norm(in_proj_v, axis=1, keepdims=True)
    w_in = in_proj_g[:, None] * in_proj_v / norm
    z_i = jnp.einsum("dc,bct->bdt", w_in, z) + in_proj_b[None, :, None]

    idx4 = _head_call(z_i, codebook)
    idx_flat = idx4.reshape(B * T)
    zq_rows = _sc_gather(codebook, idx_flat)
    z_q, z_o = _tail_call(zq_rows, z_i, eye, out_proj_v, gout2, bout2)
    indices = idx4.reshape(B, T)
    return (z_i, z_q, z_o, indices)

# --- scband reference (transcript-rebuilt; emitter-appended) ---
"""Pipeline reference for scband-vector-quantize-44796508897704 (READ-ONLY COPY).

The authoritative reference and input builder live on the scoring server;
editing this copy changes nothing except your own understanding.
"""

import jax, jax.numpy as jnp
import numpy as np

B, C_IN, T = 8, 1024, 2048
K, D = 8192, 32


def _wn_weight(v, g):
    # torch weight_norm with dim=0: weight = g * v / ||v|| per output channel
    norm = jnp.linalg.norm(v, axis=1, keepdims=True)
    return g[:, None] * v / norm


def setup_inputs(seed: int = 0) -> dict:
    key = jax.random.key(seed)
    ks = jax.random.split(key, 8)
    z = jax.random.normal(ks[0], (B, C_IN, T), dtype=jnp.float32)
    in_proj_v = jax.random.normal(ks[1], (D, C_IN), dtype=jnp.float32) * 0.02
    in_proj_g = jnp.linalg.norm(in_proj_v, axis=1)
    in_proj_b = jax.random.normal(ks[2], (D,), dtype=jnp.float32) * 0.01
    codebook = jax.random.normal(ks[3], (K, D), dtype=jnp.float32)
    out_proj_v = jax.random.normal(ks[4], (C_IN, D), dtype=jnp.float32) * 0.02
    out_proj_g = jnp.linalg.norm(out_proj_v, axis=1)
    out_proj_b = jax.random.normal(ks[5], (C_IN,), dtype=jnp.float32) * 0.01
    return {
        "z": z,
        "in_proj_v": in_proj_v,
        "in_proj_g": in_proj_g,
        "in_proj_b": in_proj_b,
        "codebook": codebook,
        "out_proj_v": out_proj_v,
        "out_proj_g": out_proj_g,
        "out_proj_b": out_proj_b,
    }


def _normalize(x, axis=1, eps=1e-12):
    n = jnp.linalg.norm(x, axis=axis, keepdims=True)
    return x / jnp.maximum(n, eps)


def reference(z, in_proj_v, in_proj_g, in_proj_b, codebook, out_proj_v, out_proj_g, out_proj_b):
    # in_proj: weight-normalized 1x1 conv == per-frame linear
    W_in = _wn_weight(in_proj_v, in_proj_g)
    z_i = jnp.einsum("dc,bct->bdt", W_in, z) + in_proj_b[None, :, None]

    # decode_latents: factorized, L2-normalized nearest-neighbor lookup
    encodings = z_i.transpose(0, 2, 1).reshape(-1, D)  # [B*T, D]
    enc_n = _normalize(encodings, axis=1)
    cb_n = _normalize(codebook, axis=1)
    dist = (
        jnp.sum(enc_n ** 2, axis=1, keepdims=True)
        - 2.0 * enc_n @ cb_n.T
        + jnp.sum(cb_n ** 2, axis=1)[None, :]
    )
    indices = jnp.argmax(-dist, axis=1).reshape(B, -1)  # [B, T]

    # decode_code: embedding lookup + transpose -> [B, D, T]
    z_q = jnp.take(codebook, indices, axis=0).transpose(0, 2, 1)

    # straight-through estimator
    z_q = z_i + jax.lax.stop_gradient(z_q - z_i)

    # out_proj
    W_out = _wn_weight(out_proj_v, out_proj_g)
    z_o = jnp.einsum("cd,bdt->bct", W_out, z_q) + out_proj_b[None, :, None]

    return (z_i, z_q, z_o, indices)

if __name__ == "__main__":
    import jax
    _d = setup_inputs()
    print(jax.jit(kernel)(*tuple(_d.values())))

</pallas_src>

<mosaic_0001>
#map = affine_map<(d0, d1) -> (0, 0)>
#map1 = affine_map<(d0, d1) -> (0)>
module attributes {stable_mosaic.version = 14 : i64} {
  func.func @gather_kernel(%arg0: i32, %arg1: i32, %arg2: memref<8192x32xf32, #tpu.memory_space<hbm>>, %arg3: memref<16384xi32, #tpu.memory_space<hbm>>, %arg4: memref<16384x32xf32, #tpu.memory_space<hbm>>, %arg5: memref<512xi32, #tpu.memory_space<vmem>>, %arg6: memref<512x32xf32, #tpu.memory_space<vmem>>, %arg7: memref<!tpu.dma_semaphore, #tpu.memory_space<semaphore_mem>>) attributes {dimension_semantics = [#tpu.dimension_semantics<core_parallel>, #tpu.dimension_semantics<subcore_parallel>], iteration_bounds = array<i64: 2, 16>, scalar_prefetch = 0 : i64, scratch_operands = 3 : i64, tpu.core_type = #tpu.core_type<sc_vector_subcore>, window_params = [{transform_indices = #map}, {transform_indices = #map1}, {transform_indices = #map}]} {
    %mul3A = arith.constant 2 : i32
    %mul3A_0 = arith.muli %arg1, %mul3A : i32
    %add3A = arith.addi %mul3A_0, %arg0 : i32
    %mul3A_1 = arith.constant 512 : i32
    %mul3A_2 = arith.muli %add3A, %mul3A_1 : i32
    "tpu.region"() ({
      %run_scoped3A = tpu.sem_alloc : memref<!tpu.dma_semaphore, #tpu.memory_space<semaphore_mem>>
      %dma_start3A_7 = tpu.memref_slice %arg3[%mul3A_2] : memref<16384xi32, #tpu.memory_space<hbm>> -> memref<512xi32, #tpu.memory_space<hbm>>
      %dma_start3A_8 = tpu.memref_slice %arg3[%mul3A_2] : memref<16384xi32, #tpu.memory_space<hbm>> -> memref<512xi32, #tpu.memory_space<hbm>>
      tpu.enqueue_dma source(%dma_start3A_8 : memref<512xi32, #tpu.memory_space<hbm>>) target(%arg5 : memref<512xi32, #tpu.memory_space<vmem>>) target_semaphore(%run_scoped3A : memref<!tpu.dma_semaphore, #tpu.memory_space<semaphore_mem>>)
      %dma_wait3A_9 = tpu.memref_slice %arg3[%mul3A_2] : memref<16384xi32, #tpu.memory_space<hbm>> -> memref<512xi32, #tpu.memory_space<hbm>>
      %dma_wait3A_10 = tpu.memref_slice %arg3[%mul3A_2] : memref<16384xi32, #tpu.memory_space<hbm>> -> memref<512xi32, #tpu.memory_space<hbm>>
      tpu.wait_dma2 semaphore(%run_scoped3A : memref<!tpu.dma_semaphore, #tpu.memory_space<semaphore_mem>>) src(%dma_wait3A_10 : memref<512xi32, #tpu.memory_space<hbm>>) dst(%arg5 : memref<512xi32, #tpu.memory_space<vmem>>)
      tpu.yield
    }) : () -> ()
    %dma_start3A = arith.constant 0 : i32
    %dma_start3A_3 = arith.constant 0 : i32
    %dma_start3A_4 = tpu.memref_slice %arg2[%dma_start3A, %dma_start3A_3] : memref<8192x32xf32, #tpu.memory_space<hbm>> -> memref<8192x32xf32, #tpu.memory_space<hbm>>
    tpu.enqueue_indirect_dma source(%dma_start3A_4 : memref<8192x32xf32, #tpu.memory_space<hbm>>) target(%arg6 : memref<512x32xf32, #tpu.memory_space<vmem>>) offsets(%arg5 : memref<512xi32, #tpu.memory_space<vmem>>) semaphore(%arg7 : memref<!tpu.dma_semaphore, #tpu.memory_space<semaphore_mem>>)
    %dma_wait3A = arith.constant 0 : i32
    %dma_wait3A_5 = arith.constant 0 : i32
    %dma_wait3A_6 = tpu.memref_slice %arg2[%dma_wait3A, %dma_wait3A_5] : memref<8192x32xf32, #tpu.memory_space<hbm>> -> memref<8192x32xf32, #tpu.memory_space<hbm>>
    tpu.wait_indirect_dma semaphore(%arg7 : memref<!tpu.dma_semaphore, #tpu.memory_space<semaphore_mem>>) src(%dma_wait3A_6 : memref<8192x32xf32, #tpu.memory_space<hbm>>) dst(%arg6 : memref<512x32xf32, #tpu.memory_space<vmem>>)
    "tpu.region"() ({
      %run_scoped3A = tpu.sem_alloc : memref<!tpu.dma_semaphore, #tpu.memory_space<semaphore_mem>>
      %dma_start3A_7 = arith.constant 0 : i32
      %dma_start3A_8 = tpu.memref_slice %arg4[%mul3A_2, %dma_start3A_7] : memref<16384x32xf32, #tpu.memory_space<hbm>> -> memref<512x32xf32, #tpu.memory_space<hbm>>
      %dma_start3A_9 = arith.constant 0 : i32
      %dma_start3A_10 = tpu.memref_slice %arg4[%mul3A_2, %dma_start3A_9] : memref<16384x32xf32, #tpu.memory_space<hbm>> -> memref<512x32xf32, #tpu.memory_space<hbm>>
      tpu.enqueue_dma source(%arg6 : memref<512x32xf32, #tpu.memory_space<vmem>>) target(%dma_start3A_10 : memref<512x32xf32, #tpu.memory_space<hbm>>) target_semaphore(%run_scoped3A : memref<!tpu.dma_semaphore, #tpu.memory_space<semaphore_mem>>)
      %dma_wait3A_11 = arith.constant 0 : i32
      %dma_wait3A_12 = tpu.memref_slice %arg4[%mul3A_2, %dma_wait3A_11] : memref<16384x32xf32, #tpu.memory_space<hbm>> -> memref<512x32xf32, #tpu.memory_space<hbm>>
      %dma_wait3A_13 = arith.constant 0 : i32
      %dma_wait3A_14 = tpu.memref_slice %arg4[%mul3A_2, %dma_wait3A_13] : memref<16384x32xf32, #tpu.memory_space<hbm>> -> memref<512x32xf32, #tpu.memory_space<hbm>>
      tpu.wait_dma2 semaphore(%run_scoped3A : memref<!tpu.dma_semaphore, #tpu.memory_space<semaphore_mem>>) src(%arg6 : memref<512x32xf32, #tpu.memory_space<vmem>>) dst(%dma_wait3A_14 : memref<512x32xf32, #tpu.memory_space<hbm>>)
      tpu.yield
    }) : () -> ()
    return
  }
}

module attributes {stable_mosaic.version = 14 : i64} {
  func.func @_head_body(%arg0: i32, %arg1: i32, %arg2: i32, %arg3: memref<1x32x512xf32, #tpu.memory_space<vmem>>, %arg4: memref<8192x32xf32, #tpu.memory_space<vmem>>, %arg5: memref<1x1x1x512xi32, #tpu.memory_space<vmem>>, %arg6: memref<8192x32xbf16, #tpu.memory_space<vmem>>, %arg7: memref<8192x1xf32, #tpu.memory_space<vmem>>, %arg8: memref<32x512xbf16, #tpu.memory_space<vmem>>, %arg9: memref<1x512xf32, #tpu.memory_space<vmem>>, %arg10: memref<1x512xf32, #tpu.memory_space<vmem>>, %arg11: memref<1x512xi32, #tpu.memory_space<vmem>>) attributes {dimension_semantics = [#tpu.dimension_semantics<arbitrary>, #tpu.dimension_semantics<arbitrary>, #tpu.dimension_semantics<arbitrary>], iteration_bounds = array<i64: 8, 4, 8>, scalar_prefetch = 0 : i64, scratch_operands = 6 : i64, tpu.core_type = #tpu.core_type<tc>, window_params = [{transform_indices = @transform_0, window_bounds = array<i64: 1, 32, 512>}, {pipeline_mode = #tpu.pipeline_mode<synchronous>, transform_indices = @transform_1, window_bounds = array<i64: 8192, 32>}, {transform_indices = @transform_2, window_bounds = array<i64: 1, 1, 1, 512>}]} {
    %eq3A = arith.constant 0 : i32
    %eq3A_0 = arith.cmpi eq, %arg0, %eq3A : i32
    %eq3A_1 = arith.constant 0 : i32
    %eq3A_2 = arith.cmpi eq, %arg1, %eq3A_1 : i32
    %and3A = arith.andi %eq3A_0, %eq3A_2 : i1
    %eq3A_3 = arith.constant 0 : i32
    %eq3A_4 = arith.cmpi eq, %arg2, %eq3A_3 : i32
    %and3A_5 = arith.andi %and3A, %eq3A_4 : i1
    %convert_element_type3A = arith.extui %and3A_5 : i1 to i32
    %cond3A = arith.constant 0 : i32
    %cond3A_6 = arith.cmpi ne, %convert_element_type3A, %cond3A : i32
    scf.if %cond3A_6 {
      %get3A_63 = arith.constant 0 : index
      %get3A_64 = arith.constant 0 : index
      %get3A_65 = vector.load %arg4[%get3A_63, %get3A_64] : memref<8192x32xf32, #tpu.memory_space<vmem>>, vector<8192x32xf32>
      %mul3A_66 = arith.mulf %get3A_65, %get3A_65 : vector<8192x32xf32>
      %reduce_sum3A = arith.constant dense<0.000000e+00> : vector<8192xf32>
      %reduce_sum3A_67 = vector.multi_reduction <add>, %mul3A_66, %reduce_sum3A [1] : vector<8192x32xf32> to vector<8192xf32>
      %broadcast_in_dim3A_68 = vector.shape_cast %reduce_sum3A_67 : vector<8192xf32> to vector<8192x1xf32>
      %sqrt3A = math.sqrt %broadcast_in_dim3A_68 : vector<8192x1xf32>
      %max3A = arith.constant 9.99999996E-13 : f32
      %max3A_69 = vector.broadcast %max3A : f32 to vector<8192x1xf32>
      %max3A_70 = arith.maximumf %sqrt3A, %max3A_69 : vector<8192x1xf32>
      %div3A = vector.broadcast %max3A_70 : vector<8192x1xf32> to vector<8192x32xf32>
      %div3A_71 = arith.divf %get3A_65, %div3A : vector<8192x32xf32>
      %convert_element_type3A_72 = arith.truncf %div3A_71 : vector<8192x32xf32> to vector<8192x32xbf16>
      %swap3A_73 = arith.constant 0 : index
      %swap3A_74 = arith.constant 0 : index
      %swap3A_75 = vector.load %arg6[%swap3A_73, %swap3A_74] : memref<8192x32xbf16, #tpu.memory_space<vmem>>, vector<8192x32xbf16>
      tpu.vector_store %arg6[%swap3A_73, %swap3A_74], %convert_element_type3A_72 {strides = array<i32>} : memref<8192x32xbf16, #tpu.memory_space<vmem>>, vector<8192x32xbf16>,
      %mul3A_76 = arith.mulf %div3A_71, %div3A_71 : vector<8192x32xf32>
      %reduce_sum3A_77 = arith.constant dense<0.000000e+00> : vector<8192xf32>
      %reduce_sum3A_78 = vector.multi_reduction <add>, %mul3A_76, %reduce_sum3A_77 [1] : vector<8192x32xf32> to vector<8192xf32>
      %broadcast_in_dim3A_79 = vector.shape_cast %reduce_sum3A_78 : vector<8192xf32> to vector<8192x1xf32>
      %swap3A_80 = arith.constant 0 : index
      %swap3A_81 = arith.constant 0 : index
      %swap3A_82 = vector.load %arg7[%swap3A_80, %swap3A_81] : memref<8192x1xf32, #tpu.memory_space<vmem>>, vector<8192x1xf32>
      tpu.vector_store %arg7[%swap3A_80, %swap3A_81], %broadcast_in_dim3A_79 {strides = array<i32>} : memref<8192x1xf32, #tpu.memory_space<vmem>>, vector<8192x1xf32>,
    } else {
    }
    %eq3A_7 = arith.constant 0 : i32
    %eq3A_8 = arith.cmpi eq, %arg2, %eq3A_7 : i32
    %convert_element_type3A_9 = arith.extui %eq3A_8 : i1 to i32
    %cond3A_10 = arith.constant 0 : i32
    %cond3A_11 = arith.cmpi ne, %convert_element_type3A_9, %cond3A_10 : i32
    scf.if %cond3A_11 {
      %get3A_63 = arith.constant 0 : index
      %get3A_64 = arith.constant 0 : index
      %get3A_65 = arith.constant 0 : index
      %get3A_66 = vector.load %arg3[%get3A_63, %get3A_64, %get3A_65] : memref<1x32x512xf32, #tpu.memory_space<vmem>>, vector<1x32x512xf32>
      %get3A_67 = vector.shape_cast %get3A_66 : vector<1x32x512xf32> to vector<32x512xf32>
      %mul3A_68 = arith.mulf %get3A_67, %get3A_67 : vector<32x512xf32>
      %reduce_sum3A = arith.constant dense<0.000000e+00> : vector<512xf32>
      %reduce_sum3A_69 = vector.multi_reduction <add>, %mul3A_68, %reduce_sum3A [0] : vector<32x512xf32> to vector<512xf32>
      %broadcast_in_dim3A_70 = vector.shape_cast %reduce_sum3A_69 : vector<512xf32> to vector<1x512xf32>
      %sqrt3A = math.sqrt %broadcast_in_dim3A_70 : vector<1x512xf32>
      %max3A = arith.constant 9.99999996E-13 : f32
      %max3A_71 = vector.broadcast %max3A : f32 to vector<1x512xf32>
      %max3A_72 = arith.maximumf %sqrt3A, %max3A_71 : vector<1x512xf32>
      %div3A = vector.broadcast %max3A_72 : vector<1x512xf32> to vector<32x512xf32>
      %div3A_73 = arith.divf %get3A_67, %div3A : vector<32x512xf32>
      %convert_element_type3A_74 = arith.truncf %div3A_73 : vector<32x512xf32> to vector<32x512xbf16>
      %swap3A_75 = arith.constant 0 : index
      %swap3A_76 = arith.constant 0 : index
      %swap3A_77 = vector.load %arg8[%swap3A_75, %swap3A_76] : memref<32x512xbf16, #tpu.memory_space<vmem>>, vector<32x512xbf16>
      tpu.vector_store %arg8[%swap3A_75, %swap3A_76], %convert_element_type3A_74 {strides = array<i32>} : memref<32x512xbf16, #tpu.memory_space<vmem>>, vector<32x512xbf16>,
      %mul3A_78 = arith.mulf %div3A_73, %div3A_73 : vector<32x512xf32>
      %reduce_sum3A_79 = arith.constant dense<0.000000e+00> : vector<512xf32>
      %reduce_sum3A_80 = vector.multi_reduction <add>, %mul3A_78, %reduce_sum3A_79 [0] : vector<32x512xf32> to vector<512xf32>
      %broadcast_in_dim3A_81 = vector.shape_cast %reduce_sum3A_80 : vector<512xf32> to vector<1x512xf32>
      %swap3A_82 = arith.constant 0 : index
      %swap3A_83 = arith.constant 0 : index
      %swap3A_84 = vector.load %arg9[%swap3A_82, %swap3A_83] : memref<1x512xf32, #tpu.memory_space<vmem>>, vector<1x512xf32>
      tpu.vector_store %arg9[%swap3A_82, %swap3A_83], %broadcast_in_dim3A_81 {strides = array<i32>} : memref<1x512xf32, #tpu.memory_space<vmem>>, vector<1x512xf32>,
      %broadcast_in_dim3A_85 = arith.constant 0xFF800000 : f32
      %broadcast_in_dim3A_86 = vector.broadcast %broadcast_in_dim3A_85 : f32 to vector<1x512xf32>
      %swap3A_87 = arith.constant 0 : index
      %swap3A_88 = arith.constant 0 : index
      %swap3A_89 = vector.load %arg10[%swap3A_87, %swap3A_88] : memref<1x512xf32, #tpu.memory_space<vmem>>, vector<1x512xf32>
      tpu.vector_store %arg10[%swap3A_87, %swap3A_88], %broadcast_in_dim3A_86 {strides = array<i32>} : memref<1x512xf32, #tpu.memory_space<vmem>>, vector<1x512xf32>,
      %broadcast_in_dim3A_90 = arith.constant 0 : i32
      %broadcast_in_dim3A_91 = vector.broadcast %broadcast_in_dim3A_90 : i32 to vector<1x512xi32>
      %swap3A_92 = arith.constant 0 : index
      %swap3A_93 = arith.constant 0 : index
      %swap3A_94 = vector.load %arg11[%swap3A_92, %swap3A_93] : memref<1x512xi32, #tpu.memory_space<vmem>>, vector<1x512xi32>
      tpu.vector_store %arg11[%swap3A_92, %swap3A_93], %broadcast_in_dim3A_91 {strides = array<i32>} : memref<1x512xi32, #tpu.memory_space<vmem>>, vector<1x512xi32>,
    } else {
    }
    %mul3A = arith.constant 1024 : i32
    %mul3A_12 = arith.muli %arg2, %mul3A : i32
    %get3A = arith.index_cast %mul3A_12 : i32 to index
    %get3A_13 = arith.constant 0 : index
    %get3A_14 = vector.load %arg6[%get3A, %get3A_13] : memref<8192x32xbf16, #tpu.memory_space<vmem>>, vector<1024x32xbf16>
    %mul3A_15 = arith.constant 1024 : i32
    %mul3A_16 = arith.muli %arg2, %mul3A_15 : i32
    %get3A_17 = arith.index_cast %mul3A_16 : i32 to index
    %get3A_18 = arith.constant 0 : index
    %get3A_19 = vector.load %arg7[%get3A_17, %get3A_18] : memref<8192x1xf32, #tpu.memory_space<vmem>>, vector<1024x1xf32>
    %get3A_20 = arith.constant 0 : index
    %get3A_21 = arith.constant 0 : index
    %get3A_22 = vector.load %arg8[%get3A_20, %get3A_21] : memref<32x512xbf16, #tpu.memory_space<vmem>>, vector<32x512xbf16>
    %dot_general3A = arith.constant dense<0.000000e+00> : vector<1024x512xf32>
    %dot_general3A_23 = tpu.matmul %get3A_14, %get3A_22, %dot_general3A {dimension_numbers = #tpu.dot_dimension_numbers<[1], [0], [0], [1], [0, 0, 1, 1], [], []>, transpose_lhs_hint = false} : vector<1024x32xbf16>, vector<32x512xbf16>, vector<1024x512xf32> -> vector<1024x512xf32>
    %mul3A_24 = arith.constant 2.000000e+00 : f32
    %mul3A_25 = vector.broadcast %mul3A_24 : f32 to vector<1024x512xf32>
    %mul3A_26 = arith.mulf %mul3A_25, %dot_general3A_23 : vector<1024x512xf32>
    %get3A_27 = arith.constant 0 : index
    %get3A_28 = arith.constant 0 : index
    %get3A_29 = vector.load %arg9[%get3A_27, %get3A_28] : memref<1x512xf32, #tpu.memory_space<vmem>>, vector<1x512xf32>
    %sub3A = vector.broadcast %get3A_29 : vector<1x512xf32> to vector<1024x512xf32>
    %sub3A_30 = arith.subf %mul3A_26, %sub3A : vector<1024x512xf32>
    %sub3A_31 = vector.broadcast %get3A_19 : vector<1024x1xf32> to vector<1024x512xf32>
    %sub3A_32 = arith.subf %sub3A_30, %sub3A_31 : vector<1024x512xf32>
    %reduce_max3A = arith.constant dense<0xFF800000> : vector<512xf32>
    %reduce_max3A_33 = vector.multi_reduction <maximumf>, %sub3A_32, %reduce_max3A [0] : vector<1024x512xf32> to vector<512xf32>
    %broadcast_in_dim3A = vector.shape_cast %reduce_max3A_33 : vector<512xf32> to vector<1x512xf32>
    %iota3A = tpu.iota {dimensions = array<i32: 0>} : vector<1024x512xi32>
    %eq3A_34 = vector.broadcast %broadcast_in_dim3A : vector<1x512xf32> to vector<1024x512xf32>
    %eq3A_35 = arith.cmpf oeq, %sub3A_32, %eq3A_34 : vector<1024x512xf32>
    %jit3A = arith.constant 8192 : i32
    %broadcast_in_dim3A_36 = vector.broadcast %jit3A : i32 to vector<1024x512xi32>
    %select_n3A = arith.select %eq3A_35, %iota3A, %broadcast_in_dim3A_36 : vector<1024x512xi1>, vector<1024x512xi32>
    %reduce_min3A = arith.constant dense<2147483647> : vector<512xi32>
    %reduce_min3A_37 = vector.multi_reduction <minsi>, %select_n3A, %reduce_min3A [0] : vector<1024x512xi32> to vector<512xi32>
    %broadcast_in_dim3A_38 = vector.shape_cast %reduce_min3A_37 : vector<512xi32> to vector<1x512xi32>
    %mul3A_39 = arith.constant 1024 : i32
    %mul3A_40 = arith.muli %arg2, %mul3A_39 : i32
    %add3A = vector.broadcast %mul3A_40 : i32 to vector<1x512xi32>
    %add3A_41 = arith.addi %broadcast_in_dim3A_38, %add3A : vector<1x512xi32>
    %get3A_42 = arith.constant 0 : index
    %get3A_43 = arith.constant 0 : index
    %get3A_44 = vector.load %arg10[%get3A_42, %get3A_43] : memref<1x512xf32, #tpu.memory_space<vmem>>, vector<1x512xf32>
    %gt3A = arith.cmpf ogt, %broadcast_in_dim3A, %get3A_44 : vector<1x512xf32>
    %get3A_45 = arith.constant 0 : index
    %get3A_46 = arith.constant 0 : index
    %get3A_47 = vector.load %arg10[%get3A_45, %get3A_46] : memref<1x512xf32, #tpu.memory_space<vmem>>, vector<1x512xf32>
    %select_n3A_48 = arith.select %gt3A, %broadcast_in_dim3A, %get3A_47 : vector<1x512xi1>, vector<1x512xf32>
    %swap3A = arith.constant 0 : index
    %swap3A_49 = arith.constant 0 : index
    %swap3A_50 = vector.load %arg10[%swap3A, %swap3A_49] : memref<1x512xf32, #tpu.memory_space<vmem>>, vector<1x512xf32>
    tpu.vector_store %arg10[%swap3A, %swap3A_49], %select_n3A_48 {strides = array<i32>} : memref<1x512xf32, #tpu.memory_space<vmem>>, vector<1x512xf32>,
    %get3A_51 = arith.constant 0 : index
    %get3A_52 = arith.constant 0 : index
    %get3A_53 = vector.load %arg11[%get3A_51, %get3A_52] : memref<1x512xi32, #tpu.memory_space<vmem>>, vector<1x512xi32>
    %select_n3A_54 = arith.select %gt3A, %add3A_41, %get3A_53 : vector<1x512xi1>, vector<1x512xi32>
    %swap3A_55 = arith.constant 0 : index
    %swap3A_56 = arith.constant 0 : index
    %swap3A_57 = vector.load %arg11[%swap3A_55, %swap3A_56] : memref<1x512xi32, #tpu.memory_space<vmem>>, vector<1x512xi32>
    tpu.vector_store %arg11[%swap3A_55, %swap3A_56], %select_n3A_54 {strides = array<i32>} : memref<1x512xi32, #tpu.memory_space<vmem>>, vector<1x512xi32>,
    %eq3A_58 = arith.constant 7 : i32
    %eq3A_59 = arith.cmpi eq, %arg2, %eq3A_58 : i32
    %convert_element_type3A_60 = arith.extui %eq3A_59 : i1 to i32
    %cond3A_61 = arith.constant 0 : i32
    %cond3A_62 = arith.cmpi ne, %convert_element_type3A_60, %cond3A_61 : i32
    scf.if %cond3A_62 {
      %get3A_63 = arith.constant 0 : index
      %get3A_64 = arith.constant 0 : index
      %get3A_65 = vector.load %arg11[%get3A_63, %get3A_64] : memref<1x512xi32, #tpu.memory_space<vmem>>, vector<1x512xi32>
      %get3A_66 = vector.shape_cast %get3A_65 : vector<1x512xi32> to vector<512xi32>
      %swap3A_67 = arith.constant 0 : index
      %swap3A_68 = arith.constant 0 : index
      %swap3A_69 = arith.constant 0 : index
      %swap3A_70 = arith.constant 0 : index
      %swap3A_71 = vector.load %arg5[%swap3A_67, %swap3A_68, %swap3A_69, %swap3A_70] : memref<1x1x1x512xi32, #tpu.memory_space<vmem>>, vector<1x1x1x512xi32>
      %swap3A_72 = vector.shape_cast %swap3A_71 : vector<1x1x1x512xi32> to vector<512xi32>
      %swap3A_73 = vector.shape_cast %get3A_66 : vector<512xi32> to vector<1x1x1x512xi32>
      tpu.vector_store %arg5[%swap3A_67, %swap3A_68, %swap3A_69, %swap3A_70], %swap3A_73 {strides = array<i32>} : memref<1x1x1x512xi32, #tpu.memory_space<vmem>>, vector<1x1x1x512xi32>,
    } else {
    }
    return
  }
  func.func @transform_0(%arg0: i32, %arg1: i32, %arg2: i32) -> (i32, i32, i32) {
    %c0_i32 = arith.constant 0 : i32
    %c0_i32_0 = arith.constant 0 : i32
    return %arg0, %c0_i32, %arg1 : i32, i32, i32
  }
  func.func @transform_1(%arg0: i32, %arg1: i32, %arg2: i32) -> (i32, i32) {
    %c0_i32 = arith.constant 0 : i32
    %c0_i32_0 = arith.constant 0 : i32
    %c0_i32_1 = arith.constant 0 : i32
    return %c0_i32, %c0_i32_0 : i32, i32
  }
  func.func @transform_2(%arg0: i32, %arg1: i32, %arg2: i32) -> (i32, i32, i32, i32) {
    %c0_i32 = arith.constant 0 : i32
    %c0_i32_0 = arith.constant 0 : i32
    %c0_i32_1 = arith.constant 0 : i32
    return %arg0, %arg1, %c0_i32, %c0_i32_0 : i32, i32, i32, i32
  }
}

module attributes {stable_mosaic.version = 14 : i64} {
  func.func @_tail_body(%arg0: i32, %arg1: i32, %arg2: memref<512x32xf32, #tpu.memory_space<vmem>>, %arg3: memref<1x32x512xf32, #tpu.memory_space<vmem>>, %arg4: memref<32x32xf32, #tpu.memory_space<vmem>>, %arg5: memref<1024x32xf32, #tpu.memory_space<vmem>>, %arg6: memref<1024x1xf32, #tpu.memory_space<vmem>>, %arg7: memref<1024x1xf32, #tpu.memory_space<vmem>>, %arg8: memref<1x32x512xf32, #tpu.memory_space<vmem>>, %arg9: memref<1x1024x512xf32, #tpu.memory_space<vmem>>, %arg10: memref<1024x32xf32, #tpu.memory_space<vmem>>) attributes {dimension_semantics = [#tpu.dimension_semantics<arbitrary>, #tpu.dimension_semantics<arbitrary>], iteration_bounds = array<i64: 8, 4>, scalar_prefetch = 0 : i64, scratch_operands = 1 : i64, tpu.core_type = #tpu.core_type<tc>, window_params = [{transform_indices = @transform_0, window_bounds = array<i64: 512, 32>}, {transform_indices = @transform_1, window_bounds = array<i64: 1, 32, 512>}, {pipeline_mode = #tpu.pipeline_mode<synchronous>, transform_indices = @transform_2, window_bounds = array<i64: 32, 32>}, {pipeline_mode = #tpu.pipeline_mode<synchronous>, transform_indices = @transform_3, window_bounds = array<i64: 1024, 32>}, {pipeline_mode = #tpu.pipeline_mode<synchronous>, transform_indices = @transform_4, window_bounds = array<i64: 1024, 1>}, {pipeline_mode = #tpu.pipeline_mode<synchronous>, transform_indices = @transform_5, window_bounds = array<i64: 1024, 1>}, {transform_indices = @transform_6, window_bounds = array<i64: 1, 32, 512>}, {transform_indices = @transform_7, window_bounds = array<i64: 1, 1024, 512>}]} {
    %eq3A = arith.constant 0 : i32
    %eq3A_0 = arith.cmpi eq, %arg0, %eq3A : i32
    %eq3A_1 = arith.constant 0 : i32
    %eq3A_2 = arith.cmpi eq, %arg1, %eq3A_1 : i32
    %and3A = arith.andi %eq3A_0, %eq3A_2 : i1
    %convert_element_type3A = arith.extui %and3A : i1 to i32
    %cond3A = arith.constant 0 : i32
    %cond3A_3 = arith.cmpi ne, %convert_element_type3A, %cond3A : i32
    scf.if %cond3A_3 {
      %get3A_38 = arith.constant 0 : index
      %get3A_39 = arith.constant 0 : index
      %get3A_40 = vector.load %arg5[%get3A_38, %get3A_39] : memref<1024x32xf32, #tpu.memory_space<vmem>>, vector<1024x32xf32>
      %mul3A = arith.mulf %get3A_40, %get3A_40 : vector<1024x32xf32>
      %reduce_sum3A = arith.constant dense<0.000000e+00> : vector<1024xf32>
      %reduce_sum3A_41 = vector.multi_reduction <add>, %mul3A, %reduce_sum3A [1] : vector<1024x32xf32> to vector<1024xf32>
      %broadcast_in_dim3A = vector.shape_cast %reduce_sum3A_41 : vector<1024xf32> to vector<1024x1xf32>
      %sqrt3A = math.sqrt %broadcast_in_dim3A : vector<1024x1xf32>
      %get3A_42 = arith.constant 0 : index
      %get3A_43 = arith.constant 0 : index
      %get3A_44 = vector.load %arg6[%get3A_42, %get3A_43] : memref<1024x1xf32, #tpu.memory_space<vmem>>, vector<1024x1xf32>
      %mul3A_45 = vector.broadcast %get3A_44 : vector<1024x1xf32> to vector<1024x32xf32>
      %mul3A_46 = arith.mulf %mul3A_45, %get3A_40 : vector<1024x32xf32>
      %div3A = vector.broadcast %sqrt3A : vector<1024x1xf32> to vector<1024x32xf32>
      %div3A_47 = arith.divf %mul3A_46, %div3A : vector<1024x32xf32>
      %swap3A_48 = arith.constant 0 : index
      %swap3A_49 = arith.constant 0 : index
      %swap3A_50 = vector.load %arg10[%swap3A_48, %swap3A_49] : memref<1024x32xf32, #tpu.memory_space<vmem>>, vector<1024x32xf32>
      tpu.vector_store %arg10[%swap3A_48, %swap3A_49], %div3A_47 {strides = array<i32>} : memref<1024x32xf32, #tpu.memory_space<vmem>>, vector<1024x32xf32>,
    } else {
    }
    %get3A = arith.constant 0 : index
    %get3A_4 = arith.constant 0 : index
    %get3A_5 = vector.load %arg2[%get3A, %get3A_4] : memref<512x32xf32, #tpu.memory_space<vmem>>, vector<512x32xf32>
    %get3A_6 = arith.constant 0 : index
    %get3A_7 = arith.constant 0 : index
    %get3A_8 = vector.load %arg4[%get3A_6, %get3A_7] : memref<32x32xf32, #tpu.memory_space<vmem>>, vector<32x32xf32>
    %dot_general3A = arith.constant dense<0.000000e+00> : vector<32x512xf32>
    %dot_general3A_9 = tpu.matmul %get3A_8, %get3A_5, %dot_general3A {dimension_numbers = #tpu.dot_dimension_numbers<[0], [1], [1], [0], [0, 1, 1, 0], [], []>, precision = #tpu.contract_precision<fp32>, transpose_lhs_hint = false} : vector<32x32xf32>, vector<512x32xf32>, vector<32x512xf32> -> vector<32x512xf32>
    %get3A_10 = arith.constant 0 : index
    %get3A_11 = arith.constant 0 : index
    %get3A_12 = arith.constant 0 : index
    %get3A_13 = vector.load %arg3[%get3A_10, %get3A_11, %get3A_12] : memref<1x32x512xf32, #tpu.memory_space<vmem>>, vector<1x32x512xf32>
    %get3A_14 = vector.shape_cast %get3A_13 : vector<1x32x512xf32> to vector<32x512xf32>
    %sub3A = arith.subf %dot_general3A_9, %get3A_14 : vector<32x512xf32>
    %add3A = arith.addf %get3A_14, %sub3A : vector<32x512xf32>
    %swap3A = arith.constant 0 : index
    %swap3A_15 = arith.constant 0 : index
    %swap3A_16 = arith.constant 0 : index
    %swap3A_17 = vector.load %arg8[%swap3A, %swap3A_15, %swap3A_16] : memref<1x32x512xf32, #tpu.memory_space<vmem>>, vector<1x32x512xf32>
    %swap3A_18 = vector.shape_cast %swap3A_17 : vector<1x32x512xf32> to vector<32x512xf32>
    %swap3A_19 = vector.shape_cast %add3A : vector<32x512xf32> to vector<1x32x512xf32>
    tpu.vector_store %arg8[%swap3A, %swap3A_15, %swap3A_16], %swap3A_19 {strides = array<i32>} : memref<1x32x512xf32, #tpu.memory_space<vmem>>, vector<1x32x512xf32>,
    %get3A_20 = arith.constant 0 : index
    %get3A_21 = arith.constant 0 : index
    %get3A_22 = vector.load %arg10[%get3A_20, %get3A_21] : memref<1024x32xf32, #tpu.memory_space<vmem>>, vector<1024x32xf32>
    %convert_element_type3A_23 = arith.truncf %get3A_22 : vector<1024x32xf32> to vector<1024x32xbf16>
    %convert_element_type3A_24 = arith.truncf %add3A : vector<32x512xf32> to vector<32x512xbf16>
    %dot_general3A_25 = arith.constant dense<0.000000e+00> : vector<1024x512xf32>
    %dot_general3A_26 = tpu.matmul %convert_element_type3A_23, %convert_element_type3A_24, %dot_general3A_25 {dimension_numbers = #tpu.dot_dimension_numbers<[1], [0], [0], [1], [0, 0, 1, 1], [], []>, transpose_lhs_hint = false} : vector<1024x32xbf16>, vector<32x512xbf16>, vector<1024x512xf32> -> vector<1024x512xf32>
    %get3A_27 = arith.constant 0 : index
    %get3A_28 = arith.constant 0 : index
    %get3A_29 = vector.load %arg7[%get3A_27, %get3A_28] : memref<1024x1xf32, #tpu.memory_space<vmem>>, vector<1024x1xf32>
    %add3A_30 = vector.broadcast %get3A_29 : vector<1024x1xf32> to vector<1024x512xf32>
    %add3A_31 = arith.addf %dot_general3A_26, %add3A_30 : vector<1024x512xf32>
    %swap3A_32 = arith.constant 0 : index
    %swap3A_33 = arith.constant 0 : index
    %swap3A_34 = arith.constant 0 : index
    %swap3A_35 = vector.load %arg9[%swap3A_32, %swap3A_33, %swap3A_34] : memref<1x1024x512xf32, #tpu.memory_space<vmem>>, vector<1x1024x512xf32>
    %swap3A_36 = vector.shape_cast %swap3A_35 : vector<1x1024x512xf32> to vector<1024x512xf32>
    %swap3A_37 = vector.shape_cast %add3A_31 : vector<1024x512xf32> to vector<1x1024x512xf32>
    tpu.vector_store %arg9[%swap3A_32, %swap3A_33, %swap3A_34], %swap3A_37 {strides = array<i32>} : memref<1x1024x512xf32, #tpu.memory_space<vmem>>, vector<1x1024x512xf32>,
    return
  }
  func.func @transform_0(%arg0: i32, %arg1: i32) -> (i32, i32) {
    %mul3A = arith.constant 4 : i32
    %mul3A_0 = arith.muli %arg0, %mul3A : i32
    %add3A = arith.addi %mul3A_0, %arg1 : i32
    %c0_i32 = arith.constant 0 : i32
    %c0_i32_1 = arith.constant 0 : i32
    return %add3A, %c0_i32 : i32, i32
  }
  func.func @transform_1(%arg0: i32, %arg1: i32) -> (i32, i32, i32) {
    %c0_i32 = arith.constant 0 : i32
    %c0_i32_0 = arith.constant 0 : i32
    return %arg0, %c0_i32, %arg1 : i32, i32, i32
  }
  func.func @transform_2(%arg0: i32, %arg1: i32) -> (i32, i32) {
    %c0_i32 = arith.constant 0 : i32
    %c0_i32_0 = arith.constant 0 : i32
    %c0_i32_1 = arith.constant 0 : i32
    return %c0_i32, %c0_i32_0 : i32, i32
  }
  func.func @transform_3(%arg0: i32, %arg1: i32) -> (i32, i32) {
    %c0_i32 = arith.constant 0 : i32
    %c0_i32_0 = arith.constant 0 : i32
    %c0_i32_1 = arith.constant 0 : i32
    return %c0_i32, %c0_i32_0 : i32, i32
  }
  func.func @transform_4(%arg0: i32, %arg1: i32) -> (i32, i32) {
    %c0_i32 = arith.constant 0 : i32
    %c0_i32_0 = arith.constant 0 : i32
    %c0_i32_1 = arith.constant 0 : i32
    return %c0_i32, %c0_i32_0 : i32, i32
  }
  func.func @transform_5(%arg0: i32, %arg1: i32) -> (i32, i32) {
    %c0_i32 = arith.constant 0 : i32
    %c0_i32_0 = arith.constant 0 : i32
    %c0_i32_1 = arith.constant 0 : i32
    return %c0_i32, %c0_i32_0 : i32, i32
  }
  func.func @transform_6(%arg0: i32, %arg1: i32) -> (i32, i32, i32) {
    %c0_i32 = arith.constant 0 : i32
    %c0_i32_0 = arith.constant 0 : i32
    return %arg0, %c0_i32, %arg1 : i32, i32, i32
  }
  func.func @transform_7(%arg0: i32, %arg1: i32) -> (i32, i32, i32) {
    %c0_i32 = arith.constant 0 : i32
    %c0_i32_0 = arith.constant 0 : i32
    return %arg0, %c0_i32, %arg1 : i32, i32, i32
  }
}

</mosaic_0001>

<sc_bundles>
// kernel: kernel.5.cloned.1.call-start
scs
__scs_entry_jumppad:
0x0: {  	(pc) =	sbr.rel $0x88, $3  }
0x1: {  	(tag) =	ssettag $0x0;
	lr =	simm.s32 $0x1  }
0x2: {  	[smem:$0x3F99] =	sst lr;
	_ =	strace $0xD0000000  }
0x3: {  	_ = 	snop  }
0x4: {  	_ = 	snop  }
0x5: {  	_ = 	snop  }
0x6: {  	_ = 	snop  }
0x7: {  	_ = 	snop  }
__scs_overlays_trampoline_lowered:
0x8: {  	[smem:$0x3FA8] =	sst s0  }
0x9: {  	[smem:$0x3FA9] =	sst s1  }
0xa: {  	[smem:$0x3FAA] =	sst s2  }
0xb: {  	[smem:$0x3FAB] =	sst s3  }
0xc: {  	[smem:$0x3FAC] =	sst s4  }
0xd: {  	[smem:$0x3FAD] =	sst s5  }
0xe: {  	[smem:$0x3FAE] =	sst s6  }
0xf: {  	[smem:$0x3FAF] =	sst s7  }
0x10: {  	[smem:$0x3FB0] =	sst s8  }
0x11: {  	[smem:$0x3FB1] =	sst s9;
	s0 =	simm.s32 @!p0 $0x0  }
0x12: {  	s1 =	sld [smem:$0x3F97];
	s0 =	simm.s32 @p0 $0x1  }
0x13: {  	[smem:$0x3FB2] =	sst s0;
	s0 =	simm.s32 @!p1 $0x0  }
0x14: {  	s2 =	sld [smem:$0x3F96];
	s0 =	simm.s32 @p1 $0x1  }
0x15: {  	[smem:$0x3FB3] =	sst s0;
	s0 =	simm.s32 @!p2 $0x0  }
0x16: {  	s3 =	sld [smem:$0x3FDB];
	s0 =	simm.s32 @p2 $0x1  }
0x17: {  	s4 =	simm.s32 $0x1BF5;
	[smem:$0x3FB5] =	sst s0  }
0x18: {  	s0 =	sld [smem:$0x3F98];
	_ =	swait.ge [sflag:s4], $0x0  }
0x19: {  	s7 =	sld [smem:$0x3F99]  }
0x1a: {  	s8 =	sadd.s32 $0xFFFFE003, lr  }
0x1b: {  	s9 =	sadd.s32 $0xFFFFFEF7, lr;
	s5 =	simm.s32 $0xFFFFFFFF;
	p2 =	slt.u32 s8, $0xFFFFF086  }
0x1c: {  	p1 =	slt.u32 s9, $0xF7A;
	s5 =	simm.s32 @!p2 $0x0  }
0x1d: {  	s5 =	simm.s32 @p1 $0x1;
	p0 =	seq.s32 s7, s2  }
0x1e: {  	s7 =	smul.u32 @!p0 $0xF7A, s2;
	p2 =	seq.s32 @!p0 s5, $0x0  }
0x1f: {  	s9 =	smul.u32 $0xF7A, s1;
	s8 =	simm.s32 @!p0 $0x1BF5;
	p2 =	por !p2, p0  }
0x20: {  	[sflag:s8] =	ssyncset.s32 @!p0 $0xFFFFF086;
	s6 =	sadd.s32 @!p0 s3, s7;
	s7 =	simm.s32 @!p0 $0x108  }
0x21: {  	s3 =	sadd.s32 s3, s9;
	s6 =	sadd.s32 @!p0 $0x88, s6;
	s7 =	simm.s32 @p2 $0x1082  }
0x22: {  	[simem:s7], [sflag:s8] =	dma.local @!p0 [hbm:s6], $0xF7A  }
0x23: {  	s9 =	sor.u32 $0xD0000000, s2;
	s6 =	simm.s32 $0x108;
	_ =	swait.ge @!p0 [sflag:s8], $0x0  }
0x24: {  	s3 =	sadd.s32 $0x88, s3;
	s6 =	simm.s32 @!p1 $0x1082;
	[sflag:s4] =	ssyncset.s32 $0xFFFFF086  }
0x25: {  	[simem:s6], [sflag:s4] =	dma.local [hbm:s3], $0xF7A  }
0x26: {  	[smem:$0x3F99] =	sst s1;
	(tag) =	ssettag s2;
	_ =	strace s9  }
0x27: {  	s1 =	sld [smem:$0x3FA9]  }
0x28: {  	s2 =	sld [smem:$0x3FAA]  }
0x29: {  	s4 =	sld [smem:$0x3FAC]  }
0x2a: {  	p0 =	seq.s32 s5, $0x0;
	s5 =	sld [smem:$0x3FAD]  }
0x2b: {  	s6 =	sld [smem:$0x3FAE]  }
0x2c: {  	s7 =	sld [smem:$0x3FAF]  }
0x2d: {  	s3 =	simm.s32 $0x108;
	s8 =	sld [smem:$0x3FB0]  }
0x2e: {  	s3 =	simm.s32 @!p0 $0x1082;
	s9 =	sld [smem:$0x3FB1]  }
0x2f: {  	lr =	sadd.s32 s0, s3;
	s0 =	sld [smem:$0x3FA8]  }
0x30: {  	s3 =	sld [smem:$0x3FAB]  }
0x31: {  	[smem:$0x3FB4] =	sst s10  }
0x32: {  	s10 =	sld [smem:$0x3FB2];
	_ =	sdelay $0x3  }
0x33: {  	p0 =	seq.s32 s10, $0x1;
	s10 =	sld [smem:$0x3FB4];
	_ =	sdelay $0x3  }
0x34: {  	[smem:$0x3FB4] =	sst s10  }
0x35: {  	s10 =	sld [smem:$0x3FB3];
	_ =	sdelay $0x3  }
0x36: {  	p1 =	seq.s32 s10, $0x1;
	s10 =	sld [smem:$0x3FB4];
	_ =	sdelay $0x3  }
0x37: {  	[smem:$0x3FB4] =	sst s10  }
0x38: {  	s10 =	sld [smem:$0x3FB5]  }
0x39: {  	_ = 	snop;
	(pc) =	sbr.ind lr, $3  }
0x3a: {  	_ = 	snop  }
0x3b: {  	_ = 	snop  }
0x3c: {  	p2 =	seq.s32 s10, $0x1;
	s10 =	sld [smem:$0x3FB4]  }
0x3d: {  	_ =	shalt  }
0x3e: {  	_ =	shalt  }
0x3f: {  	_ =	shalt  }
0x40: {  	_ =	shalt  }
0x41: {  	_ =	shalt  }
0x42: {  	_ =	shalt  }
0x43: {  	_ =	shalt  }
0x44: {  	_ =	shalt  }
0x45: {  	_ =	shalt  }
0x46: {  	_ =	shalt  }
0x47: {  	_ =	shalt  }
0x48: {  	_ =	shalt  }
0x49: {  	_ =	shalt  }
0x4a: {  	_ =	shalt  }
0x4b: {  	_ =	shalt  }
0x4c: {  	_ =	shalt  }
0x4d: {  	_ =	shalt  }
0x4e: {  	_ =	shalt  }
0x4f: {  	_ =	shalt  }
0x50: {  	_ =	shalt  }
0x51: {  	_ =	shalt  }
0x52: {  	_ =	shalt  }
0x53: {  	_ =	shalt  }
0x54: {  	_ =	shalt  }
0x55: {  	_ =	shalt  }
0x56: {  	_ =	shalt  }
0x57: {  	_ =	shalt  }
0x58: {  	_ =	shalt  }
0x59: {  	_ =	shalt  }
0x5a: {  	_ =	shalt  }
0x5b: {  	_ =	shalt  }
0x5c: {  	_ =	shalt  }
0x5d: {  	_ =	shalt  }
0x5e: {  	_ =	shalt  }
0x5f: {  	_ =	shalt  }
0x60: {  	_ =	shalt  }
0x61: {  	_ =	shalt  }
0x62: {  	_ =	shalt  }
0x63: {  	_ =	shalt  }
0x64: {  	_ =	shalt  }
0x65: {  	_ =	shalt  }
0x66: {  	_ =	shalt  }
0x67: {  	_ =	shalt  }
0x68: {  	_ =	shalt  }
0x69: {  	_ =	shalt  }
0x6a: {  	_ =	shalt  }
0x6b: {  	_ =	shalt  }
0x6c: {  	_ =	shalt  }
0x6d: {  	_ =	shalt  }
0x6e: {  	_ =	shalt  }
0x6f: {  	_ =	shalt  }
0x70: {  	_ =	shalt  }
0x71: {  	_ =	shalt  }
0x72: {  	_ =	shalt  }
0x73: {  	_ =	shalt  }
0x74: {  	_ =	shalt  }
0x75: {  	_ =	shalt  }
0x76: {  	_ =	shalt  }
0x77: {  	_ =	shalt  }
0x78: {  	_ =	shalt  }
0x79: {  	_ =	shalt  }
0x7a: {  	_ =	shalt  }
0x7b: {  	_ =	shalt  }
0x7c: {  	_ =	shalt  }
0x7d: {  	_ =	shalt  }
0x7e: {  	_ =	shalt  }
0x7f: {  	_ =	shalt  }
0x80: {  	_ =	shalt  }
0x81: {  	_ =	shalt  }
0x82: {  	_ =	shalt  }
0x83: {  	_ =	shalt  }
0x84: {  	_ =	shalt  }
0x85: {  	_ =	shalt  }
0x86: {  	_ =	shalt  }
0x87: {  	_ =	shalt  }
.Lfunc_end0:
.L_simem_size_0:
called_computation_lowered:
.L_overlay_start_0:
0x88: {  	s2 =	sld [smem:$0x3FD9]  }
0x89: {  	s3 =	sld [smem:$0x3FFE];
	_ =	sdelay $0x1  }
0x8a: {  	s1 =	srdreg.scid  }
0x8b: {  	s0 =	sand.u32 $0x1, s1  }
0x8c: {  	s14 =	sshll.u32 s0, $0xA;
	s2 =	sadd.s32 s3, s2  }
0x8d: {  	s2 =	sadd.s32 s2, s14  }
0x8e: {  	[smem:$0x3FC0] =	sst s2  }
0x8f: {  	_ = 	snop  }
0x90: {  	s2 =	sld [smem:$0x3FD0];
	_ =	sdelay $0x2  }
0x91: {  	s15 =	simm.s32 $0xA;
	s4 =	simm.s32 $0x10  }
0x92: {  	[smem:s4], [sflag:s15] =	dma.local [hbm:s2], $0x1  }
0x93: {  	_ =	swait.eq [sflag:s15], $0x1  }
0x94: {  	[sflag:s15] =	ssyncset.done $0x0  }
0x95: {  	s16 =	sld [smem:$0x11];
	[sflag:s15] =	ssyncadd.s32 $0xFFFFFFFF  }
0x96: {  	s17 =	sld [smem:$0x12];
	(tm) =	ssettm $0x1  }
0x97: {  	s18 =	sld [smem:$0x3FFB];
	_ =	sdelay $0x3  }
0x98: {  	_ =	strace s18  }
0x99: {  	s4 =	sld [smem:$0x3FFC];
	_ =	sdelay $0x3  }
0x9a: {  	_ =	strace s4  }
0x9b: {  	s4 =	sld [smem:$0x3FFD];
	_ =	sdelay $0x3  }
0x9c: {  	_ =	strace s4  }
0x9d: {  	_ =	strace $0x8FFFFFFF  }
0x9e: {  	s19 =	sld [smem:$0x3FDB];
	_ =	sdelay $0x1  }
0x9f: {  	s5 =	simm.s32 $_scs_section_size  }
0xa0: {  	s6 =	simm.s32 $_size__tile_overlayer_lowered;
	s7 =	simm.s32 $_tile_overlayer_lowered  }
0xa1: {  	s22 =	simm.s32 $0x1BFF;
	s21 =	sshll.u32 s7, $0x1;
	s4 =	sadd.s32 s5, s19  }
0xa2: {  	s8 =	simm.s32 $0x0;
	s20 =	sshll.u32 s6, $0x1;
	s6 =	sadd.s32 s21, s4  }
0xa3: {  	[timem:s8], [sflag:s22] =	dma.local [hbm:s6], s20  }
0xa4: {  	_ =	swait.ge [sflag:s22], s20  }
0xa5: {  	s5 =	ssub.s32 $0x0, s20;
	[sflag:s22] =	ssyncset.done $0x0  }
0xa6: {  	[sflag:s22] =	ssyncadd.s32 s5;
	_ =	sdelay $0x1  }
0xa7: {  	s23 =	simm.s32 $0x1B8B  }
0xa8: {  	_ =	swait.ge [sflag:s23], $0x1  }
0xa9: {  	[sflag:s23] =	ssyncset.done $0x0  }
0xaa: {  	s25 =	simm.s32 $0x1B8E;
	s24 =	sld [smem:$0x3FFE];
	[sflag:s23] =	ssyncadd.s32 $0xFFFFFFFF  }
0xab: {  	s26 =	simm.s32 $execute0_lowered;
	[smem:$0x3FD2] =	sst s25  }
0xac: {  	s6 =	sshll.u32 s26, $0x1;
	_ =	strace $0x80000046;
	[dreg:$0x1] =	wrdreg $0xFFFFFFFF  }
0xad: {  	s28 =	simm.s32 $_size_execute0_lowered;
	s4 =	sadd.s32 s4, s6;
	[dreg:$0x0] =	wrdreg $0x0  }
0xae: {  	s6 =	sshll.u32 s28, $0x1;
	[dreg:$0x2] =	wrdreg s4  }
0xaf: {  	[dreg:$0x3] =	wrdreg s6  }
0xb0: {  	[dreg:$0x4] =	wrdreg $0xC0  }
0xb1: {  	_ =	task [dreg:s8], $0x5FFFF  }
0xb2: {  	[dreg:$0x1] =	wrdreg $0xFFFFFFFF  }
0xb3: {  	[dreg:$0x0] =	wrdreg $0x60  }
0xb4: {  	[dreg:$0x2] =	wrdreg s17  }
0xb5: {  	[dreg:$0x3] =	wrdreg s24  }
0xb6: {  	[dreg:$0x4] =	wrdreg s16  }
0xb7: {  	[dreg:$0x5] =	wrdreg $0x9  }
0xb8: {  	_ =	task.clear_ibuf [dreg:s8], $0x6FFFF;
	_ =	strace $0x90000046  }
0xb9: {  	s29 =	simm.s32 $0x9;
	_ =	strace $0x80000048  }
0xba: {  	_ =	swait.ge [sflag:s29], $0x1  }
0xbb: {  	[sflag:s29] =	ssyncadd.s32 $0xFFFFFFFF  }
0xbc: {  	_ =	strace $0x90000048  }
0xbd: {  	_ =	sfence  }
0xbe: {  	s30 =	sld [smem:$0x0];
	_ =	sdelay $0x2  }
0xbf: {  	s31 =	sshll.u32 s1, $0xD;
	s1 =	sshrl.u32 s1, $0x2  }
0xc0: {  	s3 =	sand.u32 $0x4000, s31;
	s1 =	sadd.s32 s1, s30  }
0xc1: {  	s0 =	sor.u32 s3, s0;
	s1 =	sshll.u32 s1, $0x11  }
0xc2: {  	s0 =	sor.u32 s1, s0  }
0xc3: {  	s0 =	sadd.s32 $0x8F2B, s0  }
0xc4: {  	[sflag:s0] =	ssyncadd.remote.s32 $0x1  }
0xc5: {  	_ =	sfence.sel $0xFFFF  }
0xc6: {  	[dreg:$0x0] =	wrdreg $0xFFFFFFFF;
	(pc) =	sbr.abs _section_cstart, $3  }
0xc7: {  	[dreg:$0x1] =	wrdreg $0xFFFFFFFF  }
0xc8: {  	_ =	task.clear_ibuf [dreg:s8], $0x2FFFF;
	_ =	strace $0x9FFFFFFF  }
0xc9: {  	(tm) =	ssettm $0x7FFFFFFF  }
tec
execute0_lowered:
.L_overlay_start_1:
0x0: {  	(tag) =	ssettag $0x1  }
0x1: {  	s2 =	srdreg.scid  }
0x2: {  	s1 =	rddreg [dreg:$0x0];
	s0 =	stileid.u32;
	s6 =	sand.u32 $0x1, s2  }
0x3: {  	s4 =	rddreg [dreg:$0x1];
	s30 =	sshll.u32 s0, $0xA;
	s3 =	sshll.u32 s6, $0x9  }
0x4: {  	s8 =	rddreg [dreg:$0x2];
	s9 =	sor.u32 s3, s30  }
0x5: {  	s2 =	rddreg [dreg:$0x3];
	s3 =	simm.s32 $0x0;
	s5 =	sshrl.u32 s9, $0x3  }
0x6: {  	s10 =	ssub.s32 $0x2, s6;
	[smem:$0x7FF] =	sst s3;
	s4 =	sadd.s32 s5, s4  }
0x7: {  	_ =	strace $0x80000047;
	s5 =	sadd.s32 $0xE00, s4;
	s4 =	simm.s32 $0x2  }
0x8: {  	[tilespmem:s3], [sflag:$0x2] =	stream.linear.gather [hbm4b:s5+s3], $0x200, $0x38;
	[tilespmem:$0x4200] =	vst v63  }
0x9: {  	s11 =	sshrl.u32 s10, $0x1;
	_ =	swait.ge [sflag:s4], $0x200  }
0xa: {  	s7 =	simm.s32 $0x1;
	s10 =	ssub.s32 s10, s11;
	[sflag:s4] =	ssyncset.done $0x0  }
0xb: {  	s6 =	simm.s32 $0x200;
	s31 =	smax.u32 s10, $0x1;
	[sflag:s4] =	ssyncadd.s32 $0xFFFFFE00  }
0xc: {  	[tilespmem:s6], [sflag:$0x1] =	stream.indirect.gather [hbm4b:s1+s6], $0x20, s3, s6, $0xb8;
	[tilespmem:$0x4200] =	vst v63  }
0xd: {  	p0 =	sne.s32 s31, $0x1;
	_ =	swait.ge [sflag:s7], $0x4000  }
.Ltmp0:
0xe: {  	s9 =	sshll.u32 s9, $0x2;
	[sflag:s7] =	ssyncset.done $0x0;
	(pc) =	sbr.rel @!p0 .LBB2_2-.Ltmp0, $4  }
0xf: {  	s8 =	sadd.s32 s8, s9;
	[sflag:s7] =	ssyncadd.s32 $0xFFFFC000  }
0x10: {  	[hbm4b:s8+s3] =	stream.linear.scatter [tilespmem:s6], [sflag:$0x2], $0x4000, $0x38;
	[tilespmem:$0x4200] =	vst v63  }
0x11: {  	_ =	swait.ge [sflag:s4], $0x4000  }
0x12: {  	s9 =	sadd.s32 $0xFFFFFFFF, s31;
	[sflag:s4] =	ssyncset.done $0x0  }
.LBB2_1:
0x13: {  	p0 =	sne.s32 s9, $0x1;
	s9 =	sadd.s32 $0xFFFFFFFF, s9;
	[sflag:s4] =	ssyncadd.s32 $0xFFFFC000  }
0x14: {  	[tilespmem:s3], [sflag:$0x2] =	stream.linear.gather [hbm4b:s5+s3], $0x200, $0x38;
	[tilespmem:$0x4200] =	vst v63  }
0x15: {  	_ =	swait.ge [sflag:s4], $0x200  }
0x16: {  	[sflag:s4] =	ssyncset.done $0x0  }
0x17: {  	[sflag:s4] =	ssyncadd.s32 $0xFFFFFE00  }
0x18: {  	[tilespmem:s6], [sflag:$0x1] =	stream.indirect.gather [hbm4b:s1+s6], $0x20, s3, s6, $0xb8;
	[tilespmem:$0x4200] =	vst v63  }
0x19: {  	_ =	swait.ge [sflag:s7], $0x4000  }
.Ltmp1:
0x1a: {  	[sflag:s7] =	ssyncset.done $0x0;
	(pc) =	sbr.rel @p0 .LBB2_1-.Ltmp1, $4  }
0x1b: {  	[sflag:s7] =	ssyncadd.s32 $0xFFFFC000  }
0x1c: {  	[hbm4b:s8+s3] =	stream.linear.scatter [tilespmem:s6], [sflag:$0x2], $0x4000, $0x38;
	[tilespmem:$0x4200] =	vst v63  }
0x1d: {  	_ =	swait.ge [sflag:s4], $0x4000  }
0x1e: {  	[sflag:s4] =	ssyncset.done $0x0  }
.LBB2_2:
0x1f: {  	[sflag:s4] =	ssyncadd.s32 $0xFFFFC000  }
0x20: {  	_ =	sfence.sel $0x180000  }
0x21: {  	[bflag:$0x0] =	sbarrier.arrive $0xFFFF  }
0x22: {  	p0 =	sne.s32 s0, $0x0;
	_ =	strace $0x90000047  }
0x23: {  	s0 =	sadd.s32 @!p0 $0x100000, s2;
	[bflag:$0x2] =	sbarrier.arrive $0xFFFF  }
0x24: {  	[sflag:s0] =	ssyncadd.tile.s32 @!p0 $0x1;
	_ =	shalt  }
.Lfunc_end2:
_tile_overlayer_lowered:
.L_overlay_start_2:
0x25: {  	(tag) =	ssettag $0x2  }
0x26: {  	s0 =	rddreg [dreg:$0x0];
	s2 =	stileid.u32  }
0x27: {  	s1 =	rddreg [dreg:$0x1];
	p0 =	sne.s32 s2, $0x0  }
0x28: {  	s3 =	rddreg [dreg:$0x2];
	[bflag:$0x3] =	sbarrier.arrive $0xFFFF;
	s2 =	simm.s32 @!p0 $0x1C02  }
0x29: {  	[timem:s3], [sflag:s2] =	dma.local @!p0 [hbm:s0], s1  }
0x2a: {  	s0 =	simm.s32 @!p0 $0x2  }
0x2b: {  	_ =	swait.ge @!p0 [sflag:s0], s1  }
0x2c: {  	s1 =	ssub.s32 @!p0 $0x0, s1;
	[sflag:s0] =	ssyncset.done @!p0 $0x0  }
0x2d: {  	[sflag:s0] =	ssyncadd.s32 @!p0 s1  }
0x2e: {  	[bflag:$0x3] =	sbarrier.arrive $0xFFFF  }
0x2f: {  	_ =	shalt  }

</sc_bundles>
